<compile_context>
chip_gen: v7x
topology: tpu7x:2x2x1
jax: 0.10.2.dev20260603
libtpu: 0.0.44.dev20260713+nightly
codegen_flags: <defaults>
</compile_context>

<pallas_src>
import functools

import jax
import jax.numpy as jnp
import numpy as np
from jax import lax
from jax.experimental import pallas as pl
from jax.experimental.pallas import tpu as pltpu
from jax.experimental.pallas import tpu_sc as plsc

_GRID = 24
_BW = 2
_TOKENS = 577
_BH = 48
_NT = 4
_LANES = 16
_NW = 32
_ROWS = _NT * _BH
_RPW = _ROWS // _NW


def _border_cols() -> np.ndarray:
    cols = []
    for r in range(_GRID):
        for c in range(_GRID):
            if r < _BW or r >= _GRID - _BW or c < _BW or c >= _GRID - _BW:
                cols.append(1 + r * _GRID + c)
    return np.asarray(sorted(cols), dtype=np.int32)


_COLS = _border_cols()
_NIDX = _COLS.size
_SCALE = np.float32(0.1 / (_NT * _BH * _NIDX))


def _extract(a0, a1, a2, a3, o_ref):
    for t, ref in enumerate((a0, a1, a2, a3)):
        o_ref[pl.ds(t * _BH, _BH)] = jnp.reshape(
            ref[:, :, 0, :], (_BH, _TOKENS))


@functools.partial(
    pl.kernel,
    out_type=jax.ShapeDtypeStruct((_NW, _LANES), jnp.float32),
    mesh=plsc.VectorSubcoreMesh(core_axis_name="c", subcore_axis_name="s"),
    compiler_params=pltpu.CompilerParams(needs_layout_passes=False),
    scratch_types=(
        [pltpu.VMEM((_NIDX,), jnp.int32)]
        + [pltpu.VMEM((_TOKENS,), jnp.float32) for _ in range(_RPW)]
        + [pltpu.VMEM((_LANES,), jnp.float32), pltpu.SemaphoreType.DMA]
    ),
)
def _border_sums(rows_hbm, cols_hbm, out_hbm,
                 cols_v, b0, b1, b2, b3, b4, b5, acc_v, sem):
    bufs = (b0, b1, b2, b3, b4, b5)
    wid = lax.axis_index("s") * 2 + lax.axis_index("c")
    base = wid * _RPW
    copies = [
        pltpu.async_copy(rows_hbm.at[base + r], b, sem)
        for r, b in enumerate(bufs)
    ]

    pltpu.sync_copy(cols_hbm, cols_v)
    idx = [cols_v[pl.ds(j * _LANES, _LANES)] for j in range(_NIDX // _LANES)]

    def row_sum(buf):
        s = plsc.load_gather(buf, [idx[0]])
        for j in range(1, len(idx)):
            s = s + plsc.load_gather(buf, [idx[j]])
        return s

    total = None
    for cp, b in zip(copies, bufs):
        cp.wait()
        s = row_sum(b)
        total = s if total is None else total + s
    acc_v[...] = total
    pltpu.sync_copy(acc_v, out_hbm.at[wid])


def _finish(p_ref, o_ref):
    o_ref[0, 0] = jnp.sum(p_ref[...]) * _SCALE


def kernel(attn_0, attn_1, attn_2, attn_3):
    rows = jnp.reshape(
        jnp.stack([a[:, :, 0, :] for a in (attn_0, attn_1, attn_2, attn_3)]),
        (_ROWS, _TOKENS))
    parts = _border_sums(rows, jnp.asarray(_COLS))
    total = pl.pallas_call(
        _finish,
        out_shape=jax.ShapeDtypeStruct((1, 1), jnp.float32),
        out_specs=pl.BlockSpec(memory_space=pltpu.SMEM),
    )(parts)
    return total[0, 0]

# --- scband reference (transcript-rebuilt; emitter-appended) ---
"""Pipeline reference for scband-attention-regularization-loss-24008867184934 (READ-ONLY COPY).

The authoritative reference and input builder live on the scoring server;
editing this copy changes nothing except your own understanding.
"""

import math
import jax, jax.numpy as jnp
import numpy as np

LAMBDA_WEIGHT = 0.1


def _border_patch_indices(token_count):
    if token_count <= 0:
        return []
    patch_count = token_count
    if token_count - 1 > 0:
        cls_compatible = int(math.isqrt(token_count - 1))
        if cls_compatible * cls_compatible == token_count - 1:
            patch_count = token_count - 1
    grid_size = int(math.isqrt(patch_count))
    if grid_size * grid_size != patch_count:
        return []
    border_width = max(1, int(round(grid_size * 0.08)))
    indices = []
    for row in range(grid_size):
        for col in range(grid_size):
            if row < border_width or row >= grid_size - border_width or col < border_width or (col >= grid_size - border_width):
                indices.append(row * grid_size + col)
    return sorted(set(indices))


def setup_inputs(seed: int = 0) -> dict:
    key = jax.random.key(seed)
    ks = jax.random.split(key, 4)
    shape = (4, 12, 577, 577)
    return {
        "attn_0": jax.random.uniform(ks[0], shape, dtype=jnp.float32),
        "attn_1": jax.random.uniform(ks[1], shape, dtype=jnp.float32),
        "attn_2": jax.random.uniform(ks[2], shape, dtype=jnp.float32),
        "attn_3": jax.random.uniform(ks[3], shape, dtype=jnp.float32),
    }


def reference(attn_0, attn_1, attn_2, attn_3):
    attention_weights_list = [attn_0, attn_1, attn_2, attn_3]
    penalties = []
    for attn in attention_weights_list:
        if attn.ndim != 4:
            continue
        token_count = attn.shape[-1]
        border_indices = _border_patch_indices(token_count)
        if not border_indices:
            continue
        if token_count - 1 > 0 and int(math.isqrt(token_count - 1)) ** 2 == token_count - 1:
            idx = jnp.asarray([i + 1 for i in border_indices], dtype=jnp.int32)
            border_attn = attn[:, :, 0, :][:, :, idx]
        else:
            idx = jnp.asarray(border_indices, dtype=jnp.int32)
            border_attn = attn[:, :, :, idx]
        penalties.append(jnp.mean(border_attn))
    if not penalties:
        return jnp.zeros(())
    return LAMBDA_WEIGHT * jnp.mean(jnp.stack(penalties))

if __name__ == "__main__":
    import jax
    _d = setup_inputs()
    print(jax.jit(kernel)(*tuple(_d.values())))

</pallas_src>

<mosaic_0001>
#map = affine_map<(d0, d1) -> (0, 0)>
#map1 = affine_map<(d0, d1) -> (0)>
module attributes {stable_mosaic.version = 14 : i64} {
  func.func @_border_sums(%arg0: i32, %arg1: i32, %arg2: memref<192x577xf32, #tpu.memory_space<hbm>>, %arg3: memref<176xi32, #tpu.memory_space<hbm>>, %arg4: memref<32x16xf32, #tpu.memory_space<hbm>>, %arg5: memref<176xi32, #tpu.memory_space<vmem>>, %arg6: memref<577xf32, #tpu.memory_space<vmem>>, %arg7: memref<577xf32, #tpu.memory_space<vmem>>, %arg8: memref<577xf32, #tpu.memory_space<vmem>>, %arg9: memref<577xf32, #tpu.memory_space<vmem>>, %arg10: memref<577xf32, #tpu.memory_space<vmem>>, %arg11: memref<577xf32, #tpu.memory_space<vmem>>, %arg12: memref<16xf32, #tpu.memory_space<vmem>>, %arg13: memref<!tpu.dma_semaphore, #tpu.memory_space<semaphore_mem>>) attributes {dimension_semantics = [#tpu.dimension_semantics<core_parallel>, #tpu.dimension_semantics<subcore_parallel>], iteration_bounds = array<i64: 2, 16>, scalar_prefetch = 0 : i64, scratch_operands = 9 : i64, tpu.core_type = #tpu.core_type<sc_vector_subcore>, window_params = [{transform_indices = #map}, {transform_indices = #map1}, {transform_indices = #map}]} {
    %mul3A = arith.constant 2 : i32
    %mul3A_0 = arith.muli %arg1, %mul3A : i32
    %add3A = arith.addi %mul3A_0, %arg0 : i32
    %mul3A_1 = arith.constant 6 : i32
    %mul3A_2 = arith.muli %add3A, %mul3A_1 : i32
    %add3A_3 = arith.constant 0 : i32
    %add3A_4 = arith.addi %mul3A_2, %add3A_3 : i32
    %dma_start3A = arith.constant 0 : i32
    %dma_start3A_5 = tpu.memref_slice %arg2[%add3A_4, %dma_start3A] : memref<192x577xf32, #tpu.memory_space<hbm>> -> memref<1x577xf32, #tpu.memory_space<hbm>>
    %dma_start3A_6 = tpu.memref_squeeze %dma_start3A_5 : memref<1x577xf32, #tpu.memory_space<hbm>> -> memref<577xf32, #tpu.memory_space<hbm>>
    %dma_start3A_7 = arith.constant 0 : i32
    %dma_start3A_8 = tpu.memref_slice %arg2[%add3A_4, %dma_start3A_7] : memref<192x577xf32, #tpu.memory_space<hbm>> -> memref<1x577xf32, #tpu.memory_space<hbm>>
    %dma_start3A_9 = tpu.memref_squeeze %dma_start3A_8 : memref<1x577xf32, #tpu.memory_space<hbm>> -> memref<577xf32, #tpu.memory_space<hbm>>
    tpu.enqueue_dma source(%dma_start3A_9 : memref<577xf32, #tpu.memory_space<hbm>>) target(%arg6 : memref<577xf32, #tpu.memory_space<vmem>>) target_semaphore(%arg13 : memref<!tpu.dma_semaphore, #tpu.memory_space<semaphore_mem>>)
    %add3A_10 = arith.constant 1 : i32
    %add3A_11 = arith.addi %mul3A_2, %add3A_10 : i32
    %dma_start3A_12 = arith.constant 0 : i32
    %dma_start3A_13 = tpu.memref_slice %arg2[%add3A_11, %dma_start3A_12] : memref<192x577xf32, #tpu.memory_space<hbm>> -> memref<1x577xf32, #tpu.memory_space<hbm>>
    %dma_start3A_14 = tpu.memref_squeeze %dma_start3A_13 : memref<1x577xf32, #tpu.memory_space<hbm>> -> memref<577xf32, #tpu.memory_space<hbm>>
    %dma_start3A_15 = arith.constant 0 : i32
    %dma_start3A_16 = tpu.memref_slice %arg2[%add3A_11, %dma_start3A_15] : memref<192x577xf32, #tpu.memory_space<hbm>> -> memref<1x577xf32, #tpu.memory_space<hbm>>
    %dma_start3A_17 = tpu.memref_squeeze %dma_start3A_16 : memref<1x577xf32, #tpu.memory_space<hbm>> -> memref<577xf32, #tpu.memory_space<hbm>>
    tpu.enqueue_dma source(%dma_start3A_17 : memref<577xf32, #tpu.memory_space<hbm>>) target(%arg7 : memref<577xf32, #tpu.memory_space<vmem>>) target_semaphore(%arg13 : memref<!tpu.dma_semaphore, #tpu.memory_space<semaphore_mem>>)
    %add3A_18 = arith.constant 2 : i32
    %add3A_19 = arith.addi %mul3A_2, %add3A_18 : i32
    %dma_start3A_20 = arith.constant 0 : i32
    %dma_start3A_21 = tpu.memref_slice %arg2[%add3A_19, %dma_start3A_20] : memref<192x577xf32, #tpu.memory_space<hbm>> -> memref<1x577xf32, #tpu.memory_space<hbm>>
    %dma_start3A_22 = tpu.memref_squeeze %dma_start3A_21 : memref<1x577xf32, #tpu.memory_space<hbm>> -> memref<577xf32, #tpu.memory_space<hbm>>
    %dma_start3A_23 = arith.constant 0 : i32
    %dma_start3A_24 = tpu.memref_slice %arg2[%add3A_19, %dma_start3A_23] : memref<192x577xf32, #tpu.memory_space<hbm>> -> memref<1x577xf32, #tpu.memory_space<hbm>>
    %dma_start3A_25 = tpu.memref_squeeze %dma_start3A_24 : memref<1x577xf32, #tpu.memory_space<hbm>> -> memref<577xf32, #tpu.memory_space<hbm>>
    tpu.enqueue_dma source(%dma_start3A_25 : memref<577xf32, #tpu.memory_space<hbm>>) target(%arg8 : memref<577xf32, #tpu.memory_space<vmem>>) target_semaphore(%arg13 : memref<!tpu.dma_semaphore, #tpu.memory_space<semaphore_mem>>)
    %add3A_26 = arith.constant 3 : i32
    %add3A_27 = arith.addi %mul3A_2, %add3A_26 : i32
    %dma_start3A_28 = arith.constant 0 : i32
    %dma_start3A_29 = tpu.memref_slice %arg2[%add3A_27, %dma_start3A_28] : memref<192x577xf32, #tpu.memory_space<hbm>> -> memref<1x577xf32, #tpu.memory_space<hbm>>
    %dma_start3A_30 = tpu.memref_squeeze %dma_start3A_29 : memref<1x577xf32, #tpu.memory_space<hbm>> -> memref<577xf32, #tpu.memory_space<hbm>>
    %dma_start3A_31 = arith.constant 0 : i32
    %dma_start3A_32 = tpu.memref_slice %arg2[%add3A_27, %dma_start3A_31] : memref<192x577xf32, #tpu.memory_space<hbm>> -> memref<1x577xf32, #tpu.memory_space<hbm>>
    %dma_start3A_33 = tpu.memref_squeeze %dma_start3A_32 : memref<1x577xf32, #tpu.memory_space<hbm>> -> memref<577xf32, #tpu.memory_space<hbm>>
    tpu.enqueue_dma source(%dma_start3A_33 : memref<577xf32, #tpu.memory_space<hbm>>) target(%arg9 : memref<577xf32, #tpu.memory_space<vmem>>) target_semaphore(%arg13 : memref<!tpu.dma_semaphore, #tpu.memory_space<semaphore_mem>>)
    %add3A_34 = arith.constant 4 : i32
    %add3A_35 = arith.addi %mul3A_2, %add3A_34 : i32
    %dma_start3A_36 = arith.constant 0 : i32
    %dma_start3A_37 = tpu.memref_slice %arg2[%add3A_35, %dma_start3A_36] : memref<192x577xf32, #tpu.memory_space<hbm>> -> memref<1x577xf32, #tpu.memory_space<hbm>>
    %dma_start3A_38 = tpu.memref_squeeze %dma_start3A_37 : memref<1x577xf32, #tpu.memory_space<hbm>> -> memref<577xf32, #tpu.memory_space<hbm>>
    %dma_start3A_39 = arith.constant 0 : i32
    %dma_start3A_40 = tpu.memref_slice %arg2[%add3A_35, %dma_start3A_39] : memref<192x577xf32, #tpu.memory_space<hbm>> -> memref<1x577xf32, #tpu.memory_space<hbm>>
    %dma_start3A_41 = tpu.memref_squeeze %dma_start3A_40 : memref<1x577xf32, #tpu.memory_space<hbm>> -> memref<577xf32, #tpu.memory_space<hbm>>
    tpu.enqueue_dma source(%dma_start3A_41 : memref<577xf32, #tpu.memory_space<hbm>>) target(%arg10 : memref<577xf32, #tpu.memory_space<vmem>>) target_semaphore(%arg13 : memref<!tpu.dma_semaphore, #tpu.memory_space<semaphore_mem>>)
    %add3A_42 = arith.constant 5 : i32
    %add3A_43 = arith.addi %mul3A_2, %add3A_42 : i32
    %dma_start3A_44 = arith.constant 0 : i32
    %dma_start3A_45 = tpu.memref_slice %arg2[%add3A_43, %dma_start3A_44] : memref<192x577xf32, #tpu.memory_space<hbm>> -> memref<1x577xf32, #tpu.memory_space<hbm>>
    %dma_start3A_46 = tpu.memref_squeeze %dma_start3A_45 : memref<1x577xf32, #tpu.memory_space<hbm>> -> memref<577xf32, #tpu.memory_space<hbm>>
    %dma_start3A_47 = arith.constant 0 : i32
    %dma_start3A_48 = tpu.memref_slice %arg2[%add3A_43, %dma_start3A_47] : memref<192x577xf32, #tpu.memory_space<hbm>> -> memref<1x577xf32, #tpu.memory_space<hbm>>
    %dma_start3A_49 = tpu.memref_squeeze %dma_start3A_48 : memref<1x577xf32, #tpu.memory_space<hbm>> -> memref<577xf32, #tpu.memory_space<hbm>>
    tpu.enqueue_dma source(%dma_start3A_49 : memref<577xf32, #tpu.memory_space<hbm>>) target(%arg11 : memref<577xf32, #tpu.memory_space<vmem>>) target_semaphore(%arg13 : memref<!tpu.dma_semaphore, #tpu.memory_space<semaphore_mem>>)
    "tpu.region"() ({
      %run_scoped3A = tpu.sem_alloc : memref<!tpu.dma_semaphore, #tpu.memory_space<semaphore_mem>>
      tpu.enqueue_dma source(%arg3 : memref<176xi32, #tpu.memory_space<hbm>>) target(%arg5 : memref<176xi32, #tpu.memory_space<vmem>>) target_semaphore(%run_scoped3A : memref<!tpu.dma_semaphore, #tpu.memory_space<semaphore_mem>>)
      tpu.wait_dma2 semaphore(%run_scoped3A : memref<!tpu.dma_semaphore, #tpu.memory_space<semaphore_mem>>) src(%arg3 : memref<176xi32, #tpu.memory_space<hbm>>) dst(%arg5 : memref<176xi32, #tpu.memory_space<vmem>>)
      tpu.yield
    }) : () -> ()
    %get3A = arith.constant 0 : index
    %get3A_50 = tpu.vector_load %arg5[%get3A] {strides = array<i32>} : memref<176xi32, #tpu.memory_space<vmem>>, vector<16xi32>,
    %get3A_51 = arith.constant 16 : index
    %get3A_52 = tpu.vector_load %arg5[%get3A_51] {strides = array<i32>} : memref<176xi32, #tpu.memory_space<vmem>>, vector<16xi32>,
    %get3A_53 = arith.constant 32 : index
    %get3A_54 = tpu.vector_load %arg5[%get3A_53] {strides = array<i32>} : memref<176xi32, #tpu.memory_space<vmem>>, vector<16xi32>,
    %get3A_55 = arith.constant 48 : index
    %get3A_56 = tpu.vector_load %arg5[%get3A_55] {strides = array<i32>} : memref<176xi32, #tpu.memory_space<vmem>>, vector<16xi32>,
    %get3A_57 = arith.constant 64 : index
    %get3A_58 = tpu.vector_load %arg5[%get3A_57] {strides = array<i32>} : memref<176xi32, #tpu.memory_space<vmem>>, vector<16xi32>,
    %get3A_59 = arith.constant 80 : index
    %get3A_60 = tpu.vector_load %arg5[%get3A_59] {strides = array<i32>} : memref<176xi32, #tpu.memory_space<vmem>>, vector<16xi32>,
    %get3A_61 = arith.constant 96 : index
    %get3A_62 = tpu.vector_load %arg5[%get3A_61] {strides = array<i32>} : memref<176xi32, #tpu.memory_space<vmem>>, vector<16xi32>,
    %get3A_63 = arith.constant 112 : index
    %get3A_64 = tpu.vector_load %arg5[%get3A_63] {strides = array<i32>} : memref<176xi32, #tpu.memory_space<vmem>>, vector<16xi32>,
    %get3A_65 = arith.constant 128 : index
    %get3A_66 = tpu.vector_load %arg5[%get3A_65] {strides = array<i32>} : memref<176xi32, #tpu.memory_space<vmem>>, vector<16xi32>,
    %get3A_67 = arith.constant 144 : index
    %get3A_68 = tpu.vector_load %arg5[%get3A_67] {strides = array<i32>} : memref<176xi32, #tpu.memory_space<vmem>>, vector<16xi32>,
    %get3A_69 = arith.constant 160 : index
    %get3A_70 = tpu.vector_load %arg5[%get3A_69] {strides = array<i32>} : memref<176xi32, #tpu.memory_space<vmem>>, vector<16xi32>,
    %dma_wait3A = arith.constant 0 : i32
    %dma_wait3A_71 = tpu.memref_slice %arg2[%add3A_4, %dma_wait3A] : memref<192x577xf32, #tpu.memory_space<hbm>> -> memref<1x577xf32, #tpu.memory_space<hbm>>
    %dma_wait3A_72 = tpu.memref_squeeze %dma_wait3A_71 : memref<1x577xf32, #tpu.memory_space<hbm>> -> memref<577xf32, #tpu.memory_space<hbm>>
    %dma_wait3A_73 = arith.constant 0 : i32
    %dma_wait3A_74 = tpu.memref_slice %arg2[%add3A_4, %dma_wait3A_73] : memref<192x577xf32, #tpu.memory_space<hbm>> -> memref<1x577xf32, #tpu.memory_space<hbm>>
    %dma_wait3A_75 = tpu.memref_squeeze %dma_wait3A_74 : memref<1x577xf32, #tpu.memory_space<hbm>> -> memref<577xf32, #tpu.memory_space<hbm>>
    tpu.wait_dma2 semaphore(%arg13 : memref<!tpu.dma_semaphore, #tpu.memory_space<semaphore_mem>>) src(%dma_wait3A_75 : memref<577xf32, #tpu.memory_space<hbm>>) dst(%arg6 : memref<577xf32, #tpu.memory_space<vmem>>)
    %gather3A = tpu.vector_load_idx %arg6[%get3A_50] : memref<577xf32, #tpu.memory_space<vmem>>[vector<16xi32>], vector<16xf32>,
    %gather3A_76 = tpu.vector_load_idx %arg6[%get3A_52] : memref<577xf32, #tpu.memory_space<vmem>>[vector<16xi32>], vector<16xf32>,
    %add3A_77 = arith.addf %gather3A, %gather3A_76 : vector<16xf32>
    %gather3A_78 = tpu.vector_load_idx %arg6[%get3A_54] : memref<577xf32, #tpu.memory_space<vmem>>[vector<16xi32>], vector<16xf32>,
    %add3A_79 = arith.addf %add3A_77, %gather3A_78 : vector<16xf32>
    %gather3A_80 = tpu.vector_load_idx %arg6[%get3A_56] : memref<577xf32, #tpu.memory_space<vmem>>[vector<16xi32>], vector<16xf32>,
    %add3A_81 = arith.addf %add3A_79, %gather3A_80 : vector<16xf32>
    %gather3A_82 = tpu.vector_load_idx %arg6[%get3A_58] : memref<577xf32, #tpu.memory_space<vmem>>[vector<16xi32>], vector<16xf32>,
    %add3A_83 = arith.addf %add3A_81, %gather3A_82 : vector<16xf32>
    %gather3A_84 = tpu.vector_load_idx %arg6[%get3A_60] : memref<577xf32, #tpu.memory_space<vmem>>[vector<16xi32>], vector<16xf32>,
    %add3A_85 = arith.addf %add3A_83, %gather3A_84 : vector<16xf32>
    %gather3A_86 = tpu.vector_load_idx %arg6[%get3A_62] : memref<577xf32, #tpu.memory_space<vmem>>[vector<16xi32>], vector<16xf32>,
    %add3A_87 = arith.addf %add3A_85, %gather3A_86 : vector<16xf32>
    %gather3A_88 = tpu.vector_load_idx %arg6[%get3A_64] : memref<577xf32, #tpu.memory_space<vmem>>[vector<16xi32>], vector<16xf32>,
    %add3A_89 = arith.addf %add3A_87, %gather3A_88 : vector<16xf32>
    %gather3A_90 = tpu.vector_load_idx %arg6[%get3A_66] : memref<577xf32, #tpu.memory_space<vmem>>[vector<16xi32>], vector<16xf32>,
    %add3A_91 = arith.addf %add3A_89, %gather3A_90 : vector<16xf32>
    %gather3A_92 = tpu.vector_load_idx %arg6[%get3A_68] : memref<577xf32, #tpu.memory_space<vmem>>[vector<16xi32>], vector<16xf32>,
    %add3A_93 = arith.addf %add3A_91, %gather3A_92 : vector<16xf32>
    %gather3A_94 = tpu.vector_load_idx %arg6[%get3A_70] : memref<577xf32, #tpu.memory_space<vmem>>[vector<16xi32>], vector<16xf32>,
    %add3A_95 = arith.addf %add3A_93, %gather3A_94 : vector<16xf32>
    %dma_wait3A_96 = arith.constant 0 : i32
    %dma_wait3A_97 = tpu.memref_slice %arg2[%add3A_11, %dma_wait3A_96] : memref<192x577xf32, #tpu.memory_space<hbm>> -> memref<1x577xf32, #tpu.memory_space<hbm>>
    %dma_wait3A_98 = tpu.memref_squeeze %dma_wait3A_97 : memref<1x577xf32, #tpu.memory_space<hbm>> -> memref<577xf32, #tpu.memory_space<hbm>>
    %dma_wait3A_99 = arith.constant 0 : i32
    %dma_wait3A_100 = tpu.memref_slice %arg2[%add3A_11, %dma_wait3A_99] : memref<192x577xf32, #tpu.memory_space<hbm>> -> memref<1x577xf32, #tpu.memory_space<hbm>>
    %dma_wait3A_101 = tpu.memref_squeeze %dma_wait3A_100 : memref<1x577xf32, #tpu.memory_space<hbm>> -> memref<577xf32, #tpu.memory_space<hbm>>
    tpu.wait_dma2 semaphore(%arg13 : memref<!tpu.dma_semaphore, #tpu.memory_space<semaphore_mem>>) src(%dma_wait3A_101 : memref<577xf32, #tpu.memory_space<hbm>>) dst(%arg7 : memref<577xf32, #tpu.memory_space<vmem>>)
    %gather3A_102 = tpu.vector_load_idx %arg7[%get3A_50] : memref<577xf32, #tpu.memory_space<vmem>>[vector<16xi32>], vector<16xf32>,
    %gather3A_103 = tpu.vector_load_idx %arg7[%get3A_52] : memref<577xf32, #tpu.memory_space<vmem>>[vector<16xi32>], vector<16xf32>,
    %add3A_104 = arith.addf %gather3A_102, %gather3A_103 : vector<16xf32>
    %gather3A_105 = tpu.vector_load_idx %arg7[%get3A_54] : memref<577xf32, #tpu.memory_space<vmem>>[vector<16xi32>], vector<16xf32>,
    %add3A_106 = arith.addf %add3A_104, %gather3A_105 : vector<16xf32>
    %gather3A_107 = tpu.vector_load_idx %arg7[%get3A_56] : memref<577xf32, #tpu.memory_space<vmem>>[vector<16xi32>], vector<16xf32>,
    %add3A_108 = arith.addf %add3A_106, %gather3A_107 : vector<16xf32>
    %gather3A_109 = tpu.vector_load_idx %arg7[%get3A_58] : memref<577xf32, #tpu.memory_space<vmem>>[vector<16xi32>], vector<16xf32>,
    %add3A_110 = arith.addf %add3A_108, %gather3A_109 : vector<16xf32>
    %gather3A_111 = tpu.vector_load_idx %arg7[%get3A_60] : memref<577xf32, #tpu.memory_space<vmem>>[vector<16xi32>], vector<16xf32>,
    %add3A_112 = arith.addf %add3A_110, %gather3A_111 : vector<16xf32>
    %gather3A_113 = tpu.vector_load_idx %arg7[%get3A_62] : memref<577xf32, #tpu.memory_space<vmem>>[vector<16xi32>], vector<16xf32>,
    %add3A_114 = arith.addf %add3A_112, %gather3A_113 : vector<16xf32>
    %gather3A_115 = tpu.vector_load_idx %arg7[%get3A_64] : memref<577xf32, #tpu.memory_space<vmem>>[vector<16xi32>], vector<16xf32>,
    %add3A_116 = arith.addf %add3A_114, %gather3A_115 : vector<16xf32>
    %gather3A_117 = tpu.vector_load_idx %arg7[%get3A_66] : memref<577xf32, #tpu.memory_space<vmem>>[vector<16xi32>], vector<16xf32>,
    %add3A_118 = arith.addf %add3A_116, %gather3A_117 : vector<16xf32>
    %gather3A_119 = tpu.vector_load_idx %arg7[%get3A_68] : memref<577xf32, #tpu.memory_space<vmem>>[vector<16xi32>], vector<16xf32>,
    %add3A_120 = arith.addf %add3A_118, %gather3A_119 : vector<16xf32>
    %gather3A_121 = tpu.vector_load_idx %arg7[%get3A_70] : memref<577xf32, #tpu.memory_space<vmem>>[vector<16xi32>], vector<16xf32>,
    %add3A_122 = arith.addf %add3A_120, %gather3A_121 : vector<16xf32>
    %add3A_123 = arith.addf %add3A_95, %add3A_122 : vector<16xf32>
    %dma_wait3A_124 = arith.constant 0 : i32
    %dma_wait3A_125 = tpu.memref_slice %arg2[%add3A_19, %dma_wait3A_124] : memref<192x577xf32, #tpu.memory_space<hbm>> -> memref<1x577xf32, #tpu.memory_space<hbm>>
    %dma_wait3A_126 = tpu.memref_squeeze %dma_wait3A_125 : memref<1x577xf32, #tpu.memory_space<hbm>> -> memref<577xf32, #tpu.memory_space<hbm>>
    %dma_wait3A_127 = arith.constant 0 : i32
    %dma_wait3A_128 = tpu.memref_slice %arg2[%add3A_19, %dma_wait3A_127] : memref<192x577xf32, #tpu.memory_space<hbm>> -> memref<1x577xf32, #tpu.memory_space<hbm>>
    %dma_wait3A_129 = tpu.memref_squeeze %dma_wait3A_128 : memref<1x577xf32, #tpu.memory_space<hbm>> -> memref<577xf32, #tpu.memory_space<hbm>>
    tpu.wait_dma2 semaphore(%arg13 : memref<!tpu.dma_semaphore, #tpu.memory_space<semaphore_mem>>) src(%dma_wait3A_129 : memref<577xf32, #tpu.memory_space<hbm>>) dst(%arg8 : memref<577xf32, #tpu.memory_space<vmem>>)
    %gather3A_130 = tpu.vector_load_idx %arg8[%get3A_50] : memref<577xf32, #tpu.memory_space<vmem>>[vector<16xi32>], vector<16xf32>,
    %gather3A_131 = tpu.vector_load_idx %arg8[%get3A_52] : memref<577xf32, #tpu.memory_space<vmem>>[vector<16xi32>], vector<16xf32>,
    %add3A_132 = arith.addf %gather3A_130, %gather3A_131 : vector<16xf32>
    %gather3A_133 = tpu.vector_load_idx %arg8[%get3A_54] : memref<577xf32, #tpu.memory_space<vmem>>[vector<16xi32>], vector<16xf32>,
    %add3A_134 = arith.addf %add3A_132, %gather3A_133 : vector<16xf32>
    %gather3A_135 = tpu.vector_load_idx %arg8[%get3A_56] : memref<577xf32, #tpu.memory_space<vmem>>[vector<16xi32>], vector<16xf32>,
    %add3A_136 = arith.addf %add3A_134, %gather3A_135 : vector<16xf32>
    %gather3A_137 = tpu.vector_load_idx %arg8[%get3A_58] : memref<577xf32, #tpu.memory_space<vmem>>[vector<16xi32>], vector<16xf32>,
    %add3A_138 = arith.addf %add3A_136, %gather3A_137 : vector<16xf32>
    %gather3A_139 = tpu.vector_load_idx %arg8[%get3A_60] : memref<577xf32, #tpu.memory_space<vmem>>[vector<16xi32>], vector<16xf32>,
    %add3A_140 = arith.addf %add3A_138, %gather3A_139 : vector<16xf32>
    %gather3A_141 = tpu.vector_load_idx %arg8[%get3A_62] : memref<577xf32, #tpu.memory_space<vmem>>[vector<16xi32>], vector<16xf32>,
    %add3A_142 = arith.addf %add3A_140, %gather3A_141 : vector<16xf32>
    %gather3A_143 = tpu.vector_load_idx %arg8[%get3A_64] : memref<577xf32, #tpu.memory_space<vmem>>[vector<16xi32>], vector<16xf32>,
    %add3A_144 = arith.addf %add3A_142, %gather3A_143 : vector<16xf32>
    %gather3A_145 = tpu.vector_load_idx %arg8[%get3A_66] : memref<577xf32, #tpu.memory_space<vmem>>[vector<16xi32>], vector<16xf32>,
    %add3A_146 = arith.addf %add3A_144, %gather3A_145 : vector<16xf32>
    %gather3A_147 = tpu.vector_load_idx %arg8[%get3A_68] : memref<577xf32, #tpu.memory_space<vmem>>[vector<16xi32>], vector<16xf32>,
    %add3A_148 = arith.addf %add3A_146, %gather3A_147 : vector<16xf32>
    %gather3A_149 = tpu.vector_load_idx %arg8[%get3A_70] : memref<577xf32, #tpu.memory_space<vmem>>[vector<16xi32>], vector<16xf32>,
    %add3A_150 = arith.addf %add3A_148, %gather3A_149 : vector<16xf32>
    %add3A_151 = arith.addf %add3A_123, %add3A_150 : vector<16xf32>
    %dma_wait3A_152 = arith.constant 0 : i32
    %dma_wait3A_153 = tpu.memref_slice %arg2[%add3A_27, %dma_wait3A_152] : memref<192x577xf32, #tpu.memory_space<hbm>> -> memref<1x577xf32, #tpu.memory_space<hbm>>
    %dma_wait3A_154 = tpu.memref_squeeze %dma_wait3A_153 : memref<1x577xf32, #tpu.memory_space<hbm>> -> memref<577xf32, #tpu.memory_space<hbm>>
    %dma_wait3A_155 = arith.constant 0 : i32
    %dma_wait3A_156 = tpu.memref_slice %arg2[%add3A_27, %dma_wait3A_155] : memref<192x577xf32, #tpu.memory_space<hbm>> -> memref<1x577xf32, #tpu.memory_space<hbm>>
    %dma_wait3A_157 = tpu.memref_squeeze %dma_wait3A_156 : memref<1x577xf32, #tpu.memory_space<hbm>> -> memref<577xf32, #tpu.memory_space<hbm>>
    tpu.wait_dma2 semaphore(%arg13 : memref<!tpu.dma_semaphore, #tpu.memory_space<semaphore_mem>>) src(%dma_wait3A_157 : memref<577xf32, #tpu.memory_space<hbm>>) dst(%arg9 : memref<577xf32, #tpu.memory_space<vmem>>)
    %gather3A_158 = tpu.vector_load_idx %arg9[%get3A_50] : memref<577xf32, #tpu.memory_space<vmem>>[vector<16xi32>], vector<16xf32>,
    %gather3A_159 = tpu.vector_load_idx %arg9[%get3A_52] : memref<577xf32, #tpu.memory_space<vmem>>[vector<16xi32>], vector<16xf32>,
    %add3A_160 = arith.addf %gather3A_158, %gather3A_159 : vector<16xf32>
    %gather3A_161 = tpu.vector_load_idx %arg9[%get3A_54] : memref<577xf32, #tpu.memory_space<vmem>>[vector<16xi32>], vector<16xf32>,
    %add3A_162 = arith.addf %add3A_160, %gather3A_161 : vector<16xf32>
    %gather3A_163 = tpu.vector_load_idx %arg9[%get3A_56] : memref<577xf32, #tpu.memory_space<vmem>>[vector<16xi32>], vector<16xf32>,
    %add3A_164 = arith.addf %add3A_162, %gather3A_163 : vector<16xf32>
    %gather3A_165 = tpu.vector_load_idx %arg9[%get3A_58] : memref<577xf32, #tpu.memory_space<vmem>>[vector<16xi32>], vector<16xf32>,
    %add3A_166 = arith.addf %add3A_164, %gather3A_165 : vector<16xf32>
    %gather3A_167 = tpu.vector_load_idx %arg9[%get3A_60] : memref<577xf32, #tpu.memory_space<vmem>>[vector<16xi32>], vector<16xf32>,
    %add3A_168 = arith.addf %add3A_166, %gather3A_167 : vector<16xf32>
    %gather3A_169 = tpu.vector_load_idx %arg9[%get3A_62] : memref<577xf32, #tpu.memory_space<vmem>>[vector<16xi32>], vector<16xf32>,
    %add3A_170 = arith.addf %add3A_168, %gather3A_169 : vector<16xf32>
    %gather3A_171 = tpu.vector_load_idx %arg9[%get3A_64] : memref<577xf32, #tpu.memory_space<vmem>>[vector<16xi32>], vector<16xf32>,
    %add3A_172 = arith.addf %add3A_170, %gather3A_171 : vector<16xf32>
    %gather3A_173 = tpu.vector_load_idx %arg9[%get3A_66] : memref<577xf32, #tpu.memory_space<vmem>>[vector<16xi32>], vector<16xf32>,
    %add3A_174 = arith.addf %add3A_172, %gather3A_173 : vector<16xf32>
    %gather3A_175 = tpu.vector_load_idx %arg9[%get3A_68] : memref<577xf32, #tpu.memory_space<vmem>>[vector<16xi32>], vector<16xf32>,
    %add3A_176 = arith.addf %add3A_174, %gather3A_175 : vector<16xf32>
    %gather3A_177 = tpu.vector_load_idx %arg9[%get3A_70] : memref<577xf32, #tpu.memory_space<vmem>>[vector<16xi32>], vector<16xf32>,
    %add3A_178 = arith.addf %add3A_176, %gather3A_177 : vector<16xf32>
    %add3A_179 = arith.addf %add3A_151, %add3A_178 : vector<16xf32>
    %dma_wait3A_180 = arith.constant 0 : i32
    %dma_wait3A_181 = tpu.memref_slice %arg2[%add3A_35, %dma_wait3A_180] : memref<192x577xf32, #tpu.memory_space<hbm>> -> memref<1x577xf32, #tpu.memory_space<hbm>>
    %dma_wait3A_182 = tpu.memref_squeeze %dma_wait3A_181 : memref<1x577xf32, #tpu.memory_space<hbm>> -> memref<577xf32, #tpu.memory_space<hbm>>
    %dma_wait3A_183 = arith.constant 0 : i32
    %dma_wait3A_184 = tpu.memref_slice %arg2[%add3A_35, %dma_wait3A_183] : memref<192x577xf32, #tpu.memory_space<hbm>> -> memref<1x577xf32, #tpu.memory_space<hbm>>
    %dma_wait3A_185 = tpu.memref_squeeze %dma_wait3A_184 : memref<1x577xf32, #tpu.memory_space<hbm>> -> memref<577xf32, #tpu.memory_space<hbm>>
    tpu.wait_dma2 semaphore(%arg13 : memref<!tpu.dma_semaphore, #tpu.memory_space<semaphore_mem>>) src(%dma_wait3A_185 : memref<577xf32, #tpu.memory_space<hbm>>) dst(%arg10 : memref<577xf32, #tpu.memory_space<vmem>>)
    %gather3A_186 = tpu.vector_load_idx %arg10[%get3A_50] : memref<577xf32, #tpu.memory_space<vmem>>[vector<16xi32>], vector<16xf32>,
    %gather3A_187 = tpu.vector_load_idx %arg10[%get3A_52] : memref<577xf32, #tpu.memory_space<vmem>>[vector<16xi32>], vector<16xf32>,
    %add3A_188 = arith.addf %gather3A_186, %gather3A_187 : vector<16xf32>
    %gather3A_189 = tpu.vector_load_idx %arg10[%get3A_54] : memref<577xf32, #tpu.memory_space<vmem>>[vector<16xi32>], vector<16xf32>,
    %add3A_190 = arith.addf %add3A_188, %gather3A_189 : vector<16xf32>
    %gather3A_191 = tpu.vector_load_idx %arg10[%get3A_56] : memref<577xf32, #tpu.memory_space<vmem>>[vector<16xi32>], vector<16xf32>,
    %add3A_192 = arith.addf %add3A_190, %gather3A_191 : vector<16xf32>
    %gather3A_193 = tpu.vector_load_idx %arg10[%get3A_58] : memref<577xf32, #tpu.memory_space<vmem>>[vector<16xi32>], vector<16xf32>,
    %add3A_194 = arith.addf %add3A_192, %gather3A_193 : vector<16xf32>
    %gather3A_195 = tpu.vector_load_idx %arg10[%get3A_60] : memref<577xf32, #tpu.memory_space<vmem>>[vector<16xi32>], vector<16xf32>,
    %add3A_196 = arith.addf %add3A_194, %gather3A_195 : vector<16xf32>
    %gather3A_197 = tpu.vector_load_idx %arg10[%get3A_62] : memref<577xf32, #tpu.memory_space<vmem>>[vector<16xi32>], vector<16xf32>,
    %add3A_198 = arith.addf %add3A_196, %gather3A_197 : vector<16xf32>
    %gather3A_199 = tpu.vector_load_idx %arg10[%get3A_64] : memref<577xf32, #tpu.memory_space<vmem>>[vector<16xi32>], vector<16xf32>,
    %add3A_200 = arith.addf %add3A_198, %gather3A_199 : vector<16xf32>
    %gather3A_201 = tpu.vector_load_idx %arg10[%get3A_66] : memref<577xf32, #tpu.memory_space<vmem>>[vector<16xi32>], vector<16xf32>,
    %add3A_202 = arith.addf %add3A_200, %gather3A_201 : vector<16xf32>
    %gather3A_203 = tpu.vector_load_idx %arg10[%get3A_68] : memref<577xf32, #tpu.memory_space<vmem>>[vector<16xi32>], vector<16xf32>,
    %add3A_204 = arith.addf %add3A_202, %gather3A_203 : vector<16xf32>
    %gather3A_205 = tpu.vector_load_idx %arg10[%get3A_70] : memref<577xf32, #tpu.memory_space<vmem>>[vector<16xi32>], vector<16xf32>,
    %add3A_206 = arith.addf %add3A_204, %gather3A_205 : vector<16xf32>
    %add3A_207 = arith.addf %add3A_179, %add3A_206 : vector<16xf32>
    %dma_wait3A_208 = arith.constant 0 : i32
    %dma_wait3A_209 = tpu.memref_slice %arg2[%add3A_43, %dma_wait3A_208] : memref<192x577xf32, #tpu.memory_space<hbm>> -> memref<1x577xf32, #tpu.memory_space<hbm>>
    %dma_wait3A_210 = tpu.memref_squeeze %dma_wait3A_209 : memref<1x577xf32, #tpu.memory_space<hbm>> -> memref<577xf32, #tpu.memory_space<hbm>>
    %dma_wait3A_211 = arith.constant 0 : i32
    %dma_wait3A_212 = tpu.memref_slice %arg2[%add3A_43, %dma_wait3A_211] : memref<192x577xf32, #tpu.memory_space<hbm>> -> memref<1x577xf32, #tpu.memory_space<hbm>>
    %dma_wait3A_213 = tpu.memref_squeeze %dma_wait3A_212 : memref<1x577xf32, #tpu.memory_space<hbm>> -> memref<577xf32, #tpu.memory_space<hbm>>
    tpu.wait_dma2 semaphore(%arg13 : memref<!tpu.dma_semaphore, #tpu.memory_space<semaphore_mem>>) src(%dma_wait3A_213 : memref<577xf32, #tpu.memory_space<hbm>>) dst(%arg11 : memref<577xf32, #tpu.memory_space<vmem>>)
    %gather3A_214 = tpu.vector_load_idx %arg11[%get3A_50] : memref<577xf32, #tpu.memory_space<vmem>>[vector<16xi32>], vector<16xf32>,
    %gather3A_215 = tpu.vector_load_idx %arg11[%get3A_52] : memref<577xf32, #tpu.memory_space<vmem>>[vector<16xi32>], vector<16xf32>,
    %add3A_216 = arith.addf %gather3A_214, %gather3A_215 : vector<16xf32>
    %gather3A_217 = tpu.vector_load_idx %arg11[%get3A_54] : memref<577xf32, #tpu.memory_space<vmem>>[vector<16xi32>], vector<16xf32>,
    %add3A_218 = arith.addf %add3A_216, %gather3A_217 : vector<16xf32>
    %gather3A_219 = tpu.vector_load_idx %arg11[%get3A_56] : memref<577xf32, #tpu.memory_space<vmem>>[vector<16xi32>], vector<16xf32>,
    %add3A_220 = arith.addf %add3A_218, %gather3A_219 : vector<16xf32>
    %gather3A_221 = tpu.vector_load_idx %arg11[%get3A_58] : memref<577xf32, #tpu.memory_space<vmem>>[vector<16xi32>], vector<16xf32>,
    %add3A_222 = arith.addf %add3A_220, %gather3A_221 : vector<16xf32>
    %gather3A_223 = tpu.vector_load_idx %arg11[%get3A_60] : memref<577xf32, #tpu.memory_space<vmem>>[vector<16xi32>], vector<16xf32>,
    %add3A_224 = arith.addf %add3A_222, %gather3A_223 : vector<16xf32>
    %gather3A_225 = tpu.vector_load_idx %arg11[%get3A_62] : memref<577xf32, #tpu.memory_space<vmem>>[vector<16xi32>], vector<16xf32>,
    %add3A_226 = arith.addf %add3A_224, %gather3A_225 : vector<16xf32>
    %gather3A_227 = tpu.vector_load_idx %arg11[%get3A_64] : memref<577xf32, #tpu.memory_space<vmem>>[vector<16xi32>], vector<16xf32>,
    %add3A_228 = arith.addf %add3A_226, %gather3A_227 : vector<16xf32>
    %gather3A_229 = tpu.vector_load_idx %arg11[%get3A_66] : memref<577xf32, #tpu.memory_space<vmem>>[vector<16xi32>], vector<16xf32>,
    %add3A_230 = arith.addf %add3A_228, %gather3A_229 : vector<16xf32>
    %gather3A_231 = tpu.vector_load_idx %arg11[%get3A_68] : memref<577xf32, #tpu.memory_space<vmem>>[vector<16xi32>], vector<16xf32>,
    %add3A_232 = arith.addf %add3A_230, %gather3A_231 : vector<16xf32>
    %gather3A_233 = tpu.vector_load_idx %arg11[%get3A_70] : memref<577xf32, #tpu.memory_space<vmem>>[vector<16xi32>], vector<16xf32>,
    %add3A_234 = arith.addf %add3A_232, %gather3A_233 : vector<16xf32>
    %add3A_235 = arith.addf %add3A_207, %add3A_234 : vector<16xf32>
    %swap3A = arith.constant 0 : index
    %swap3A_236 = tpu.vector_load %arg12[%swap3A] {strides = array<i32>} : memref<16xf32, #tpu.memory_space<vmem>>, vector<16xf32>,
    tpu.vector_store %arg12[%swap3A], %add3A_235 {strides = array<i32>} : memref<16xf32, #tpu.memory_space<vmem>>, vector<16xf32>,
    "tpu.region"() ({
      %run_scoped3A = tpu.sem_alloc : memref<!tpu.dma_semaphore, #tpu.memory_space<semaphore_mem>>
      %dma_start3A_237 = arith.constant 0 : i32
      %dma_start3A_238 = tpu.memref_slice %arg4[%add3A, %dma_start3A_237] : memref<32x16xf32, #tpu.memory_space<hbm>> -> memref<1x16xf32, #tpu.memory_space<hbm>>
      %dma_start3A_239 = tpu.memref_squeeze %dma_start3A_238 : memref<1x16xf32, #tpu.memory_space<hbm>> -> memref<16xf32, #tpu.memory_space<hbm>>
      %dma_start3A_240 = arith.constant 0 : i32
      %dma_start3A_241 = tpu.memref_slice %arg4[%add3A, %dma_start3A_240] : memref<32x16xf32, #tpu.memory_space<hbm>> -> memref<1x16xf32, #tpu.memory_space<hbm>>
      %dma_start3A_242 = tpu.memref_squeeze %dma_start3A_241 : memref<1x16xf32, #tpu.memory_space<hbm>> -> memref<16xf32, #tpu.memory_space<hbm>>
      tpu.enqueue_dma source(%arg12 : memref<16xf32, #tpu.memory_space<vmem>>) target(%dma_start3A_242 : memref<16xf32, #tpu.memory_space<hbm>>) target_semaphore(%run_scoped3A : memref<!tpu.dma_semaphore, #tpu.memory_space<semaphore_mem>>)
      %dma_wait3A_243 = arith.constant 0 : i32
      %dma_wait3A_244 = tpu.memref_slice %arg4[%add3A, %dma_wait3A_243] : memref<32x16xf32, #tpu.memory_space<hbm>> -> memref<1x16xf32, #tpu.memory_space<hbm>>
      %dma_wait3A_245 = tpu.memref_squeeze %dma_wait3A_244 : memref<1x16xf32, #tpu.memory_space<hbm>> -> memref<16xf32, #tpu.memory_space<hbm>>
      %dma_wait3A_246 = arith.constant 0 : i32
      %dma_wait3A_247 = tpu.memref_slice %arg4[%add3A, %dma_wait3A_246] : memref<32x16xf32, #tpu.memory_space<hbm>> -> memref<1x16xf32, #tpu.memory_space<hbm>>
      %dma_wait3A_248 = tpu.memref_squeeze %dma_wait3A_247 : memref<1x16xf32, #tpu.memory_space<hbm>> -> memref<16xf32, #tpu.memory_space<hbm>>
      tpu.wait_dma2 semaphore(%run_scoped3A : memref<!tpu.dma_semaphore, #tpu.memory_space<semaphore_mem>>) src(%arg12 : memref<16xf32, #tpu.memory_space<vmem>>) dst(%dma_wait3A_248 : memref<16xf32, #tpu.memory_space<hbm>>)
      tpu.yield
    }) : () -> ()
    return
  }
}

module attributes {stable_mosaic.version = 14 : i64} {
  func.func @_finish(%arg0: memref<32x16xf32, #tpu.memory_space<vmem>>, %arg1: memref<1x1xf32, #tpu.memory_space<smem>>) attributes {dimension_semantics = [], scalar_prefetch = 0 : i64, scratch_operands = 0 : i64, tpu.core_type = #tpu.core_type<tc>} {
    %get3A = arith.constant 0 : index
    %get3A_0 = arith.constant 0 : index
    %get3A_1 = vector.load %arg0[%get3A, %get3A_0] : memref<32x16xf32, #tpu.memory_space<vmem>>, vector<32x16xf32>
    %reduce_sum3A = vector.shape_cast %get3A_1 : vector<32x16xf32> to vector<1x32x16xf32>
    %reduce_sum3A_2 = arith.constant dense<0.000000e+00> : vector<1xf32>
    %reduce_sum3A_3 = vector.multi_reduction <add>, %reduce_sum3A, %reduce_sum3A_2 [1, 2] : vector<1x32x16xf32> to vector<1xf32>
    %reduce_sum3A_4 = vector.shape_cast %reduce_sum3A_3 : vector<1xf32> to vector<1x1x1xf32>
    %reduce_sum3A_5 = vector.extract %reduce_sum3A_4[0, 0, 0] : f32 from vector<1x1x1xf32>
    %mul3A = arith.constant 2.95928021E-6 : f32
    %mul3A_6 = arith.mulf %reduce_sum3A_5, %mul3A : f32
    %swap3A = arith.constant 0 : index
    %swap3A_7 = arith.constant 0 : index
    %swap3A_8 = memref.load %arg1[%swap3A, %swap3A_7] : memref<1x1xf32, #tpu.memory_space<smem>>
    memref.store %mul3A_6, %arg1[%swap3A, %swap3A_7] : memref<1x1xf32, #tpu.memory_space<smem>>
    return
  }
}

</mosaic_0001>

<sc_bundles>
// kernel: kernel.4.cloned.1.call-start
scs
__scs_entry_jumppad:
0x0: {  	(pc) =	sbr.rel $0x88, $3  }
0x1: {  	(tag) =	ssettag $0x0;
	lr =	simm.s32 $0x1  }
0x2: {  	[smem:$0x3F9D] =	sst lr;
	_ =	strace $0xD0000000  }
0x3: {  	_ = 	snop  }
0x4: {  	_ = 	snop  }
0x5: {  	_ = 	snop  }
0x6: {  	_ = 	snop  }
0x7: {  	_ = 	snop  }
__scs_overlays_trampoline_lowered:
0x8: {  	[smem:$0x3FAC] =	sst s0  }
0x9: {  	[smem:$0x3FAD] =	sst s1  }
0xa: {  	[smem:$0x3FAE] =	sst s2  }
0xb: {  	[smem:$0x3FAF] =	sst s3  }
0xc: {  	[smem:$0x3FB0] =	sst s4  }
0xd: {  	[smem:$0x3FB1] =	sst s5  }
0xe: {  	[smem:$0x3FB2] =	sst s6  }
0xf: {  	[smem:$0x3FB3] =	sst s7  }
0x10: {  	[smem:$0x3FB4] =	sst s8  }
0x11: {  	[smem:$0x3FB5] =	sst s9;
	s0 =	simm.s32 @!p0 $0x0  }
0x12: {  	s1 =	sld [smem:$0x3F9B];
	s0 =	simm.s32 @p0 $0x1  }
0x13: {  	[smem:$0x3FB6] =	sst s0;
	s0 =	simm.s32 @!p1 $0x0  }
0x14: {  	s2 =	sld [smem:$0x3F9A];
	s0 =	simm.s32 @p1 $0x1  }
0x15: {  	[smem:$0x3FB7] =	sst s0;
	s0 =	simm.s32 @!p2 $0x0  }
0x16: {  	s3 =	sld [smem:$0x3FDB];
	s0 =	simm.s32 @p2 $0x1  }
0x17: {  	s4 =	simm.s32 $0x1BF5;
	[smem:$0x3FB9] =	sst s0  }
0x18: {  	s0 =	sld [smem:$0x3F9C];
	_ =	swait.ge [sflag:s4], $0x0  }
0x19: {  	s7 =	sld [smem:$0x3F9D]  }
0x1a: {  	s8 =	sadd.s32 $0xFFFFE003, lr  }
0x1b: {  	s9 =	sadd.s32 $0xFFFFFEF7, lr;
	s5 =	simm.s32 $0xFFFFFFFF;
	p2 =	slt.u32 s8, $0xFFFFF086  }
0x1c: {  	p1 =	slt.u32 s9, $0xF7A;
	s5 =	simm.s32 @!p2 $0x0  }
0x1d: {  	s5 =	simm.s32 @p1 $0x1;
	p0 =	seq.s32 s7, s2  }
0x1e: {  	s7 =	smul.u32 @!p0 $0xF7A, s2;
	p2 =	seq.s32 @!p0 s5, $0x0  }
0x1f: {  	s9 =	smul.u32 $0xF7A, s1;
	s8 =	simm.s32 @!p0 $0x1BF5;
	p2 =	por !p2, p0  }
0x20: {  	[sflag:s8] =	ssyncset.s32 @!p0 $0xFFFFF086;
	s6 =	sadd.s32 @!p0 s3, s7;
	s7 =	simm.s32 @!p0 $0x108  }
0x21: {  	s3 =	sadd.s32 s3, s9;
	s6 =	sadd.s32 @!p0 $0x88, s6;
	s7 =	simm.s32 @p2 $0x1082  }
0x22: {  	[simem:s7], [sflag:s8] =	dma.local @!p0 [hbm:s6], $0xF7A  }
0x23: {  	s9 =	sor.u32 $0xD0000000, s2;
	s6 =	simm.s32 $0x108;
	_ =	swait.ge @!p0 [sflag:s8], $0x0  }
0x24: {  	s3 =	sadd.s32 $0x88, s3;
	s6 =	simm.s32 @!p1 $0x1082;
	[sflag:s4] =	ssyncset.s32 $0xFFFFF086  }
0x25: {  	[simem:s6], [sflag:s4] =	dma.local [hbm:s3], $0xF7A  }
0x26: {  	[smem:$0x3F9D] =	sst s1;
	(tag) =	ssettag s2;
	_ =	strace s9  }
0x27: {  	s1 =	sld [smem:$0x3FAD]  }
0x28: {  	s2 =	sld [smem:$0x3FAE]  }
0x29: {  	s4 =	sld [smem:$0x3FB0]  }
0x2a: {  	p0 =	seq.s32 s5, $0x0;
	s5 =	sld [smem:$0x3FB1]  }
0x2b: {  	s6 =	sld [smem:$0x3FB2]  }
0x2c: {  	s7 =	sld [smem:$0x3FB3]  }
0x2d: {  	s3 =	simm.s32 $0x108;
	s8 =	sld [smem:$0x3FB4]  }
0x2e: {  	s3 =	simm.s32 @!p0 $0x1082;
	s9 =	sld [smem:$0x3FB5]  }
0x2f: {  	lr =	sadd.s32 s0, s3;
	s0 =	sld [smem:$0x3FAC]  }
0x30: {  	s3 =	sld [smem:$0x3FAF]  }
0x31: {  	[smem:$0x3FB8] =	sst s10  }
0x32: {  	s10 =	sld [smem:$0x3FB6];
	_ =	sdelay $0x3  }
0x33: {  	p0 =	seq.s32 s10, $0x1;
	s10 =	sld [smem:$0x3FB8];
	_ =	sdelay $0x3  }
0x34: {  	[smem:$0x3FB8] =	sst s10  }
0x35: {  	s10 =	sld [smem:$0x3FB7];
	_ =	sdelay $0x3  }
0x36: {  	p1 =	seq.s32 s10, $0x1;
	s10 =	sld [smem:$0x3FB8];
	_ =	sdelay $0x3  }
0x37: {  	[smem:$0x3FB8] =	sst s10  }
0x38: {  	s10 =	sld [smem:$0x3FB9]  }
0x39: {  	_ = 	snop;
	(pc) =	sbr.ind lr, $3  }
0x3a: {  	_ = 	snop  }
0x3b: {  	_ = 	snop  }
0x3c: {  	p2 =	seq.s32 s10, $0x1;
	s10 =	sld [smem:$0x3FB8]  }
0x3d: {  	_ =	shalt  }
0x3e: {  	_ =	shalt  }
0x3f: {  	_ =	shalt  }
0x40: {  	_ =	shalt  }
0x41: {  	_ =	shalt  }
0x42: {  	_ =	shalt  }
0x43: {  	_ =	shalt  }
0x44: {  	_ =	shalt  }
0x45: {  	_ =	shalt  }
0x46: {  	_ =	shalt  }
0x47: {  	_ =	shalt  }
0x48: {  	_ =	shalt  }
0x49: {  	_ =	shalt  }
0x4a: {  	_ =	shalt  }
0x4b: {  	_ =	shalt  }
0x4c: {  	_ =	shalt  }
0x4d: {  	_ =	shalt  }
0x4e: {  	_ =	shalt  }
0x4f: {  	_ =	shalt  }
0x50: {  	_ =	shalt  }
0x51: {  	_ =	shalt  }
0x52: {  	_ =	shalt  }
0x53: {  	_ =	shalt  }
0x54: {  	_ =	shalt  }
0x55: {  	_ =	shalt  }
0x56: {  	_ =	shalt  }
0x57: {  	_ =	shalt  }
0x58: {  	_ =	shalt  }
0x59: {  	_ =	shalt  }
0x5a: {  	_ =	shalt  }
0x5b: {  	_ =	shalt  }
0x5c: {  	_ =	shalt  }
0x5d: {  	_ =	shalt  }
0x5e: {  	_ =	shalt  }
0x5f: {  	_ =	shalt  }
0x60: {  	_ =	shalt  }
0x61: {  	_ =	shalt  }
0x62: {  	_ =	shalt  }
0x63: {  	_ =	shalt  }
0x64: {  	_ =	shalt  }
0x65: {  	_ =	shalt  }
0x66: {  	_ =	shalt  }
0x67: {  	_ =	shalt  }
0x68: {  	_ =	shalt  }
0x69: {  	_ =	shalt  }
0x6a: {  	_ =	shalt  }
0x6b: {  	_ =	shalt  }
0x6c: {  	_ =	shalt  }
0x6d: {  	_ =	shalt  }
0x6e: {  	_ =	shalt  }
0x6f: {  	_ =	shalt  }
0x70: {  	_ =	shalt  }
0x71: {  	_ =	shalt  }
0x72: {  	_ =	shalt  }
0x73: {  	_ =	shalt  }
0x74: {  	_ =	shalt  }
0x75: {  	_ =	shalt  }
0x76: {  	_ =	shalt  }
0x77: {  	_ =	shalt  }
0x78: {  	_ =	shalt  }
0x79: {  	_ =	shalt  }
0x7a: {  	_ =	shalt  }
0x7b: {  	_ =	shalt  }
0x7c: {  	_ =	shalt  }
0x7d: {  	_ =	shalt  }
0x7e: {  	_ =	shalt  }
0x7f: {  	_ =	shalt  }
0x80: {  	_ =	shalt  }
0x81: {  	_ =	shalt  }
0x82: {  	_ =	shalt  }
0x83: {  	_ =	shalt  }
0x84: {  	_ =	shalt  }
0x85: {  	_ =	shalt  }
0x86: {  	_ =	shalt  }
0x87: {  	_ =	shalt  }
.Lfunc_end0:
.L_simem_size_0:
called_computation_lowered:
.L_overlay_start_0:
0x88: {  	s2 =	sld [smem:$0x3FD9]  }
0x89: {  	s3 =	sld [smem:$0x3FFE];
	_ =	sdelay $0x1  }
0x8a: {  	s1 =	srdreg.scid  }
0x8b: {  	s0 =	sand.u32 $0x1, s1  }
0x8c: {  	s16 =	sshll.u32 s0, $0xA;
	s2 =	sadd.s32 s3, s2  }
0x8d: {  	s2 =	sadd.s32 s2, s16  }
0x8e: {  	[smem:$0x3FC4] =	sst s2  }
0x8f: {  	_ = 	snop  }
0x90: {  	(tm) =	ssettm $0x1  }
0x91: {  	s17 =	sld [smem:$0x3FFB];
	_ =	sdelay $0x3  }
0x92: {  	_ =	strace s17  }
0x93: {  	s2 =	sld [smem:$0x3FFC];
	_ =	sdelay $0x3  }
0x94: {  	_ =	strace s2  }
0x95: {  	s2 =	sld [smem:$0x3FFD];
	_ =	sdelay $0x3  }
0x96: {  	_ =	strace s2  }
0x97: {  	_ =	strace $0x8FFFFFFF  }
0x98: {  	s18 =	sld [smem:$0x3FDB];
	_ =	sdelay $0x1  }
0x99: {  	s19 =	simm.s32 $_scs_section_size  }
0x9a: {  	s4 =	simm.s32 $_size__tile_overlayer_lowered;
	s5 =	simm.s32 $_tile_overlayer_lowered  }
0x9b: {  	s22 =	simm.s32 $0x1BFF;
	s21 =	sshll.u32 s5, $0x1;
	s2 =	sadd.s32 s19, s18  }
0x9c: {  	s6 =	simm.s32 $0x0;
	s20 =	sshll.u32 s4, $0x1;
	s4 =	sadd.s32 s21, s2  }
0x9d: {  	[timem:s6], [sflag:s22] =	dma.local [hbm:s4], s20  }
0x9e: {  	_ =	swait.ge [sflag:s22], s20  }
0x9f: {  	s3 =	ssub.s32 $0x0, s20;
	[sflag:s22] =	ssyncset.done $0x0  }
0xa0: {  	[sflag:s22] =	ssyncadd.s32 s3;
	_ =	sdelay $0x1  }
0xa1: {  	s23 =	simm.s32 $0x1B8B  }
0xa2: {  	_ =	swait.ge [sflag:s23], $0x1  }
0xa3: {  	[sflag:s23] =	ssyncset.done $0x0  }
0xa4: {  	s25 =	simm.s32 $0x1B8E;
	s24 =	sld [smem:$0x3FFE];
	[sflag:s23] =	ssyncadd.s32 $0xFFFFFFFF  }
0xa5: {  	s26 =	simm.s32 $execute0_lowered;
	[smem:$0x3FD2] =	sst s25  }
0xa6: {  	s4 =	sshll.u32 s26, $0x1;
	_ =	strace $0x80000046;
	[dreg:$0x1] =	wrdreg $0xFFFFFFFF  }
0xa7: {  	s28 =	simm.s32 $_size_execute0_lowered;
	s2 =	sadd.s32 s2, s4;
	[dreg:$0x0] =	wrdreg $0x0  }
0xa8: {  	s4 =	sshll.u32 s28, $0x1;
	[dreg:$0x2] =	wrdreg s2  }
0xa9: {  	[dreg:$0x3] =	wrdreg s4  }
0xaa: {  	[dreg:$0x4] =	wrdreg $0xC0  }
0xab: {  	_ =	task [dreg:s6], $0x5FFFF  }
0xac: {  	[dreg:$0x1] =	wrdreg $0xFFFFFFFF  }
0xad: {  	[dreg:$0x0] =	wrdreg $0x60  }
0xae: {  	[dreg:$0x2] =	wrdreg s24  }
0xaf: {  	[dreg:$0x3] =	wrdreg $0x9  }
0xb0: {  	_ =	task.clear_ibuf [dreg:s6], $0x4FFFF;
	_ =	strace $0x90000046  }
0xb1: {  	s29 =	simm.s32 $0x9;
	_ =	strace $0x80000048  }
0xb2: {  	_ =	swait.ge [sflag:s29], $0x1  }
0xb3: {  	[sflag:s29] =	ssyncadd.s32 $0xFFFFFFFF  }
0xb4: {  	_ =	strace $0x90000048  }
0xb5: {  	_ =	sfence  }
0xb6: {  	s30 =	sld [smem:$0x0];
	_ =	sdelay $0x2  }
0xb7: {  	s31 =	sshll.u32 s1, $0xD;
	s1 =	sshrl.u32 s1, $0x2  }
0xb8: {  	s3 =	sand.u32 $0x4000, s31;
	s1 =	sadd.s32 s1, s30  }
0xb9: {  	s0 =	sor.u32 s3, s0;
	s1 =	sshll.u32 s1, $0x11  }
0xba: {  	s0 =	sor.u32 s1, s0  }
0xbb: {  	s0 =	sadd.s32 $0x8F2B, s0  }
0xbc: {  	[sflag:s0] =	ssyncadd.remote.s32 $0x1  }
0xbd: {  	_ =	sfence.sel $0xFFFF  }
0xbe: {  	[dreg:$0x0] =	wrdreg $0xFFFFFFFF;
	(pc) =	sbr.abs _section_cstart, $3  }
0xbf: {  	[dreg:$0x1] =	wrdreg $0xFFFFFFFF  }
0xc0: {  	_ =	task.clear_ibuf [dreg:s6], $0x2FFFF;
	_ =	strace $0x9FFFFFFF  }
0xc1: {  	(tm) =	ssettm $0x7FFFFFFF  }
tec
execute0_lowered:
.L_overlay_start_1:
0x0: {  	(tag) =	ssettag $0x1  }
0x1: {  	s4 =	rddreg [dreg:$0x0]  }
0x2: {  	s0 =	rddreg [dreg:$0x1]  }
0x3: {  	s3 =	srdreg.scid;
	s1 =	stileid.u32;
	s2 =	simm.s32 $0x0  }
0x4: {  	s16 =	simm.s32 $0x600;
	s17 =	simm.s32 $0x880;
	s18 =	simm.s32 $0xB00  }
0x5: {  	s19 =	simm.s32 $0xD80;
	s5 =	sand.u32 $0x1, s3;
	s20 =	sshll.u32 s1, $0x1  }
0x6: {  	[smem:$0x7FF] =	sst s2;
	s9 =	sadd.s32 $0xA00, s4;
	s3 =	sadd.s32 $0x4600, s4  }
0x7: {  	s6 =	sor.u32 s5, s20;
	_ =	strace $0x80000047;
	s5 =	ssub.s32 $0x2, s5  }
0x8: {  	s20 =	simm.s32 $0x2;
	s7 =	smul.u32 $0x6, s6;
	s8 =	sshll.u32 s6, $0x4  }
0x9: {  	s6 =	smul.u32 $0x300, s6;
	s11 =	sshrl.u32 s5, $0x1;
	s10 =	sadd.s32 s8, s4  }
0xa: {  	s11 =	ssub.s32 s5, s11;
	s21 =	sshrl.u32 s7, $0x3;
	s22 =	sadd.s32 $0x2, s7  }
0xb: {  	s6 =	sand.u32 $0x300, s6;
	s25 =	sadd.s32 $0x3, s7;
	s13 =	sadd.s32 $0x4, s7  }
0xc: {  	s7 =	sadd.s32 $0x5, s7;
	s10 =	sadd.s32 $0x4800, s10;
	s11 =	smax.u32 s11, $0x1  }
0xd: {  	s4 =	smul.u32 $0x1400, s21;
	s12 =	sshrl.u32 s22, $0x3;
	s8 =	sshll.u32 s22, $0x7  }
0xe: {  	s26 =	sshrl.u32 s25, $0x3;
	s14 =	sshrl.u32 s13, $0x3;
	s15 =	sshrl.u32 s7, $0x3  }
0xf: {  	s13 =	sshll.u32 s13, $0x7;
	s7 =	sshll.u32 s7, $0x7;
	s23 =	smul.u32 $0x1400, s12  }
0x10: {  	s21 =	simm.s32 $0x1;
	s22 =	simm.s32 $0x1000;
	s12 =	smul.u32 $0x1400, s26  }
0x11: {  	s24 =	sand.u32 $0x300, s8;
	s8 =	sshll.u32 s25, $0x7;
	s14 =	smul.u32 $0x1400, s14  }
0x12: {  	s15 =	smul.u32 $0x1400, s15;
	s28 =	sand.u32 $0x300, s13;
	s7 =	sand.u32 $0x380, s7  }
0x13: {  	s13 =	simm.s32 $0x400;
	s4 =	sor.u32 s6, s4;
	s8 =	sand.u32 $0x380, s8  }
0x14: {  	s4 =	sshrl.u32 s4, $0x3;
	s6 =	sor.u32 s24, s23;
	s8 =	sor.u32 s8, s12  }
0x15: {  	s12 =	sor.u32 s28, s14;
	s29 =	sor.u32 s7, s15;
	s14 =	simm.s32 $0x100  }
0x16: {  	s15 =	simm.s32 $0x380;
	s4 =	sadd.s32 s9, s4;
	s6 =	sshrl.u32 s6, $0x3  }
0x17: {  	s8 =	sshrl.u32 s8, $0x3;
	s30 =	sshrl.u32 s12, $0x3;
	s31 =	sshrl.u32 s29, $0x3  }
0x18: {  	s12 =	simm.s32 $0x80;
	s5 =	sadd.s32 $0x10, s4;
	s6 =	sadd.s32 s9, s6  }
0x19: {  	s7 =	sadd.s32 s9, s8;
	s8 =	sadd.s32 s9, s30;
	s9 =	sadd.s32 s9, s31  }
.LBB2_1:
0x1a: {  	[tilespmem:s14], [sflag:$0x1] =	stream.strided.gather [hbm4b:s4+s12], $0x280, s13, s12, $0x38;
	[tilespmem:$0x1080] =	vst v63  }
0x1b: {  	_ = 	snop  }
0x1c: {  	[tilespmem:s15], [sflag:$0x1] =	stream.strided.gather [hbm4b:s5+s12], $0x280, s13, s12, $0x38;
	[tilespmem:$0x1080] =	vst v63  }
0x1d: {  	_ = 	snop  }
0x1e: {  	[tilespmem:s16], [sflag:$0x1] =	stream.strided.gather [hbm4b:s6+s12], $0x280, s13, s12, $0x38;
	[tilespmem:$0x1080] =	vst v63  }
0x1f: {  	_ = 	snop  }
0x20: {  	[tilespmem:s17], [sflag:$0x1] =	stream.strided.gather [hbm4b:s7+s12], $0x280, s13, s12, $0x38;
	[tilespmem:$0x1080] =	vst v63  }
0x21: {  	_ = 	snop  }
0x22: {  	[tilespmem:s18], [sflag:$0x1] =	stream.strided.gather [hbm4b:s8+s12], $0x280, s13, s12, $0x38;
	[tilespmem:$0x1080] =	vst v63  }
0x23: {  	_ = 	snop  }
0x24: {  	[tilespmem:s19], [sflag:$0x1] =	stream.strided.gather [hbm4b:s9+s12], $0x280, s13, s12, $0x38;
	[tilespmem:$0x1080] =	vst v63  }
0x25: {  	_ = 	snop  }
0x26: {  	[tilespmem:s2], [sflag:$0x2] =	stream.linear.gather [hbm4b:s3+s2], $0x100, $0x38;
	[tilespmem:$0x1080] =	vst v63  }
0x27: {  	_ =	swait.ge [sflag:s20], $0x100  }
0x28: {  	[sflag:s20] =	ssyncset.done $0x0  }
0x29: {  	[sflag:s20] =	ssyncadd.s32 $0xFFFFFF00  }
0x2a: {  	v4 =	vld [tilespmem:$0x0]  }
0x2b: {  	v5 =	vld [tilespmem:$0x10]  }
0x2c: {  	v6 =	vld [tilespmem:$0x20]  }
0x2d: {  	v7 =	vld [tilespmem:$0x30]  }
0x2e: {  	v8 =	vld [tilespmem:$0x40]  }
0x2f: {  	v9 =	vld [tilespmem:$0x50]  }
0x30: {  	v10 =	vld [tilespmem:$0x60]  }
0x31: {  	v3 =	vld [tilespmem:$0x70]  }
0x32: {  	v2 =	vld [tilespmem:$0x80]  }
0x33: {  	v1 =	vld [tilespmem:$0x90]  }
0x34: {  	v0 =	vld [tilespmem:$0xA0];
	_ =	swait.ge [sflag:s21], $0x280  }
0x35: {  	[sflag:s21] =	ssyncset.done $0x0  }
0x36: {  	[sflag:s21] =	ssyncadd.s32 $0xFFFFFD80  }
0x37: {  	v11 =	vld.idx.msk [tilespmem:v4+s14+$0x0], $0xffff  }
0x38: {  	v12 =	vld.idx.msk [tilespmem:v5+s14+$0x0], $0xffff  }
0x39: {  	v13 =	vld.idx.msk [tilespmem:v6+s14+$0x0], $0xffff  }
0x3a: {  	v14 =	vld.idx.msk [tilespmem:v7+s14+$0x0], $0xffff  }
0x3b: {  	v15 =	vld.idx.msk [tilespmem:v8+s14+$0x0], $0xffff  }
0x3c: {  	v16 =	vld.idx.msk [tilespmem:v9+s14+$0x0], $0xffff  }
0x3d: {  	v17 =	vld.idx.msk [tilespmem:v10+s14+$0x0], $0xffff  }
0x3e: {  	v18 =	vld.idx.msk [tilespmem:v3+s14+$0x0], $0xffff  }
0x3f: {  	v19 =	vld.idx.msk [tilespmem:v2+s14+$0x0], $0xffff  }
0x40: {  	v20 =	vld.idx.msk [tilespmem:v1+s14+$0x0], $0xffff  }
0x41: {  	v21 =	vld.idx.msk [tilespmem:v0+s14+$0x0], $0xffff;
	_ =	swait.ge [sflag:s21], $0x280  }
0x42: {  	[sflag:s21] =	ssyncset.done $0x0  }
0x43: {  	[sflag:s21] =	ssyncadd.s32 $0xFFFFFD80  }
0x44: {  	v22 =	vld.idx.msk [tilespmem:v4+s15+$0x0], $0xffff  }
0x45: {  	v23 =	vld.idx.msk [tilespmem:v5+s15+$0x0], $0xffff  }
0x46: {  	v24 =	vld.idx.msk [tilespmem:v6+s15+$0x0], $0xffff  }
0x47: {  	v25 =	vld.idx.msk [tilespmem:v7+s15+$0x0], $0xffff  }
0x48: {  	v26 =	vld.idx.msk [tilespmem:v8+s15+$0x0], $0xffff  }
0x49: {  	v27 =	vld.idx.msk [tilespmem:v9+s15+$0x0], $0xffff  }
0x4a: {  	v28 =	vld.idx.msk [tilespmem:v10+s15+$0x0], $0xffff  }
0x4b: {  	v29 =	vld.idx.msk [tilespmem:v3+s15+$0x0], $0xffff  }
0x4c: {  	v30 =	vld.idx.msk [tilespmem:v2+s15+$0x0], $0xffff  }
0x4d: {  	v31 =	vld.idx.msk [tilespmem:v1+s15+$0x0], $0xffff  }
0x4e: {  	v32 =	vld.idx.msk [tilespmem:v0+s15+$0x0], $0xffff;
	_ =	swait.ge [sflag:s21], $0x280  }
0x4f: {  	[sflag:s21] =	ssyncset.done $0x0  }
0x50: {  	[sflag:s21] =	ssyncadd.s32 $0xFFFFFD80  }
0x51: {  	v33 =	vld.idx.msk [tilespmem:v4+s16+$0x0], $0xffff  }
0x52: {  	v34 =	vld.idx.msk [tilespmem:v5+s16+$0x0], $0xffff  }
0x53: {  	v35 =	vld.idx.msk [tilespmem:v6+s16+$0x0], $0xffff  }
0x54: {  	v36 =	vld.idx.msk [tilespmem:v7+s16+$0x0], $0xffff  }
0x55: {  	v37 =	vld.idx.msk [tilespmem:v8+s16+$0x0], $0xffff  }
0x56: {  	v38 =	vld.idx.msk [tilespmem:v9+s16+$0x0], $0xffff  }
0x57: {  	v39 =	vld.idx.msk [tilespmem:v10+s16+$0x0], $0xffff  }
0x58: {  	v40 =	vld.idx.msk [tilespmem:v3+s16+$0x0], $0xffff  }
0x59: {  	v41 =	vld.idx.msk [tilespmem:v2+s16+$0x0], $0xffff  }
0x5a: {  	v42 =	vld.idx.msk [tilespmem:v1+s16+$0x0], $0xffff  }
0x5b: {  	v43 =	vld.idx.msk [tilespmem:v0+s16+$0x0], $0xffff;
	_ =	swait.ge [sflag:s21], $0x280  }
0x5c: {  	[sflag:s21] =	ssyncset.done $0x0  }
0x5d: {  	[sflag:s21] =	ssyncadd.s32 $0xFFFFFD80  }
0x5e: {  	v44 =	vld.idx.msk [tilespmem:v4+s17+$0x0], $0xffff  }
0x5f: {  	v45 =	vld.idx.msk [tilespmem:v5+s17+$0x0], $0xffff  }
0x60: {  	v46 =	vld.idx.msk [tilespmem:v6+s17+$0x0], $0xffff  }
0x61: {  	v47 =	vld.idx.msk [tilespmem:v7+s17+$0x0], $0xffff  }
0x62: {  	v48 =	vld.idx.msk [tilespmem:v8+s17+$0x0], $0xffff  }
0x63: {  	v49 =	vld.idx.msk [tilespmem:v9+s17+$0x0], $0xffff  }
0x64: {  	v50 =	vld.idx.msk [tilespmem:v10+s17+$0x0], $0xffff  }
0x65: {  	v51 =	vld.idx.msk [tilespmem:v3+s17+$0x0], $0xffff  }
0x66: {  	v52 =	vld.idx.msk [tilespmem:v2+s17+$0x0], $0xffff  }
0x67: {  	v53 =	vld.idx.msk [tilespmem:v1+s17+$0x0], $0xffff  }
0x68: {  	v54 =	vld.idx.msk [tilespmem:v0+s17+$0x0], $0xffff;
	_ =	swait.ge [sflag:s21], $0x280  }
0x69: {  	v11 =	vadd.f32 v12, v11;
	v23 =	vadd.f32 v23, v22;
	[sflag:s21] =	ssyncset.done $0x0  }
0x6a: {  	[sflag:s21] =	ssyncadd.s32 $0xFFFFFD80  }
0x6b: {  	v11 =	vadd.f32 v13, v11;
	v12 =	vadd.f32 v24, v23;
	v55 =	vld.idx.msk [tilespmem:v4+s18+$0x0], $0xffff  }
0x6c: {  	v56 =	vld.idx.msk [tilespmem:v5+s18+$0x0], $0xffff  }
0x6d: {  	v11 =	vadd.f32 v14, v11;
	v12 =	vadd.f32 v25, v12;
	v57 =	vld.idx.msk [tilespmem:v6+s18+$0x0], $0xffff  }
0x6e: {  	v58 =	vld.idx.msk [tilespmem:v7+s18+$0x0], $0xffff  }
0x6f: {  	v11 =	vadd.f32 v15, v11;
	v59 =	vld.idx.msk [tilespmem:v8+s18+$0x0], $0xffff;
	v12 =	vadd.f32 v26, v12  }
0x70: {  	v60 =	vld.idx.msk [tilespmem:v9+s18+$0x0], $0xffff  }
0x71: {  	v61 =	vld.idx.msk [tilespmem:v10+s18+$0x0], $0xffff;
	v11 =	vadd.f32 v16, v11;
	v12 =	vadd.f32 v27, v12  }
0x72: {  	v62 =	vld.idx.msk [tilespmem:v3+s18+$0x0], $0xffff  }
0x73: {  	v63 =	vld.idx.msk [tilespmem:v2+s18+$0x0], $0xffff;
	v11 =	vadd.f32 v17, v11;
	v12 =	vadd.f32 v28, v12  }
0x74: {  	v28 =	vld.idx.msk [tilespmem:v1+s18+$0x0], $0xffff  }
0x75: {  	v11 =	vadd.f32 v18, v11;
	v12 =	vadd.f32 v29, v12;
	v29 =	vld.idx.msk [tilespmem:v0+s18+$0x0], $0xffff;
	_ =	swait.ge [sflag:s21], $0x280  }
0x76: {  	v34 =	vadd.f32 v34, v33;
	[sflag:s21] =	ssyncset.done $0x0  }
0x77: {  	v11 =	vadd.f32 v19, v11;
	v12 =	vadd.f32 v30, v12;
	[sflag:s21] =	ssyncadd.s32 $0xFFFFFD80  }
0x78: {  	v19 =	vadd.f32 v35, v34;
	v35 =	vadd.f32 v45, v44;
	v4 =	vld.idx.msk [tilespmem:v4+s19+$0x0], $0xffff  }
0x79: {  	v11 =	vadd.f32 v20, v11;
	v5 =	vld.idx.msk [tilespmem:v5+s19+$0x0], $0xffff;
	v12 =	vadd.f32 v31, v12  }
0x7a: {  	v19 =	vadd.f32 v36, v19;
	v20 =	vadd.f32 v46, v35  }
0x7b: {  	v11 =	vadd.f32 v21, v11;
	v6 =	vld.idx.msk [tilespmem:v6+s19+$0x0], $0xffff;
	v12 =	vadd.f32 v32, v12  }
0x7c: {  	v44 =	vadd.f32 v56, v55;
	v45 =	vadd.f32 v37, v19  }
0x7d: {  	v46 =	vadd.f32 v47, v20;
	v7 =	vld.idx.msk [tilespmem:v7+s19+$0x0], $0xffff;
	v11 =	vadd.f32 v12, v11  }
0x7e: {  	v12 =	vadd.f32 v57, v44;
	v4 =	vadd.f32 v5, v4  }
0x7f: {  	v8 =	vld.idx.msk [tilespmem:v8+s19+$0x0], $0xffff;
	v47 =	vadd.f32 v38, v45;
	v48 =	vadd.f32 v48, v46  }
0x80: {  	v12 =	vadd.f32 v58, v12;
	v4 =	vadd.f32 v6, v4  }
0x81: {  	v9 =	vld.idx.msk [tilespmem:v9+s19+$0x0], $0xffff;
	v49 =	vadd.f32 v49, v48;
	v5 =	vadd.f32 v39, v47  }
0x82: {  	v12 =	vadd.f32 v59, v12;
	v4 =	vadd.f32 v7, v4  }
0x83: {  	v5 =	vadd.f32 v40, v5;
	v6 =	vadd.f32 v50, v49;
	v50 =	vld.idx.msk [tilespmem:v10+s19+$0x0], $0xffff  }
0x84: {  	v55 =	vadd.f32 v60, v12;
	v4 =	vadd.f32 v8, v4  }
0x85: {  	v3 =	vld.idx.msk [tilespmem:v3+s19+$0x0], $0xffff;
	v5 =	vadd.f32 v41, v5;
	v6 =	vadd.f32 v51, v6  }
0x86: {  	v56 =	vadd.f32 v61, v55;
	v4 =	vadd.f32 v9, v4  }
0x87: {  	v2 =	vld.idx.msk [tilespmem:v2+s19+$0x0], $0xffff;
	v5 =	vadd.f32 v42, v5;
	v6 =	vadd.f32 v52, v6  }
0x88: {  	v8 =	vadd.f32 v62, v56;
	v4 =	vadd.f32 v50, v4  }
0x89: {  	v1 =	vld.idx.msk [tilespmem:v1+s19+$0x0], $0xffff;
	v5 =	vadd.f32 v43, v5;
	v6 =	vadd.f32 v53, v6  }
0x8a: {  	v57 =	vadd.f32 v63, v8;
	v3 =	vadd.f32 v3, v4  }
0x8b: {  	v0 =	vld.idx.msk [tilespmem:v0+s19+$0x0], $0xffff;
	v58 =	vadd.f32 v5, v11;
	v59 =	vadd.f32 v54, v6  }
0x8c: {  	v60 =	vadd.f32 v28, v57;
	v2 =	vadd.f32 v2, v3  }
0x8d: {  	v61 =	vadd.f32 v59, v58  }
0x8e: {  	v62 =	vadd.f32 v29, v60;
	v1 =	vadd.f32 v1, v2;
	_ =	sdelay $0x1  }
0x8f: {  	v63 =	vadd.f32 v62, v61;
	v0 =	vadd.f32 v0, v1;
	_ =	sdelay $0x1  }
0x90: {  	v0 =	vadd.f32 v0, v63  }
0x91: {  	p0 =	sne.s32 s11, $0x1  }
.Ltmp0:
0x92: {  	[tilespmem:$0x1000] =	vst v0;
	(pc) =	sbr.rel @p0 .LBB2_1-.Ltmp0, $4  }
0x93: {  	[hbm4b:s10+s2] =	stream.linear.scatter [tilespmem:s22], [sflag:$0x2], $0x80, $0x38;
	[tilespmem:$0x1080] =	vst v63  }
0x94: {  	_ =	swait.ge [sflag:s20], $0x80  }
0x95: {  	[sflag:s20] =	ssyncset.done $0x0  }
0x96: {  	s11 =	sadd.s32 $0xFFFFFFFF, s11;
	[sflag:s20] =	ssyncadd.s32 $0xFFFFFF80  }
0x97: {  	_ =	sfence.sel $0x180000  }
0x98: {  	[bflag:$0x0] =	sbarrier.arrive $0xFFFF  }
0x99: {  	p0 =	sne.s32 s1, $0x0;
	_ =	strace $0x90000047  }
0x9a: {  	s0 =	sadd.s32 @!p0 $0x100000, s0;
	[bflag:$0x2] =	sbarrier.arrive $0xFFFF  }
0x9b: {  	[sflag:s0] =	ssyncadd.tile.s32 @!p0 $0x1;
	_ =	shalt  }
.Lfunc_end2:
_tile_overlayer_lowered:
.L_overlay_start_2:
0x9c: {  	(tag) =	ssettag $0x2  }
0x9d: {  	s0 =	rddreg [dreg:$0x0];
	s2 =	stileid.u32  }
0x9e: {  	s1 =	rddreg [dreg:$0x1];
	p0 =	sne.s32 s2, $0x0  }
0x9f: {  	s3 =	rddreg [dreg:$0x2];
	[bflag:$0x3] =	sbarrier.arrive $0xFFFF;
	s2 =	simm.s32 @!p0 $0x1C02  }
0xa0: {  	[timem:s3], [sflag:s2] =	dma.local @!p0 [hbm:s0], s1  }
0xa1: {  	s0 =	simm.s32 @!p0 $0x2  }
0xa2: {  	_ =	swait.ge @!p0 [sflag:s0], s1  }
0xa3: {  	s1 =	ssub.s32 @!p0 $0x0, s1;
	[sflag:s0] =	ssyncset.done @!p0 $0x0  }
0xa4: {  	[sflag:s0] =	ssyncadd.s32 @!p0 s1  }
0xa5: {  	[bflag:$0x3] =	sbarrier.arrive $0xFFFF  }
0xa6: {  	_ =	shalt  }

</sc_bundles>
